<compile_context>
chip_gen: v7x
topology: tpu7x:2x2x1
jax: 0.10.2.dev20260603
libtpu: 0.0.44.dev20260713+nightly
codegen_flags: <defaults>
</compile_context>

<pallas_src>
import functools

import jax
import jax.numpy as jnp
from jax.experimental import pallas as pl
from jax.experimental.pallas import tpu as pltpu
from jax.experimental.pallas import tpu_sc as plsc


def _take_last_body(x_hbm, seq_hbm, out_hbm, seq_s, sem, *, B, T):
    pltpu.sync_copy(seq_hbm, seq_s)
    copies = []
    for b in range(B):
        row = b * T + seq_s[b] - 1
        copies.append(pltpu.async_copy(x_hbm.at[row], out_hbm.at[b], sem))
    for cp in copies:
        cp.wait()


def kernel(x, seq_len):
    B, T, D = x.shape
    xf = x.reshape(B * T, D)
    seq = seq_len.astype(jnp.int32)
    mesh = plsc.ScalarSubcoreMesh(axis_name="c", num_cores=1)
    f = pl.kernel(
        functools.partial(_take_last_body, B=B, T=T),
        mesh=mesh,
        out_type=jax.ShapeDtypeStruct((B, D), jnp.float32),
        scratch_types=[
            pltpu.SMEM((B,), jnp.int32),
            pltpu.SemaphoreType.DMA,
        ],
    )
    return f(xf, seq)

# --- scband reference (transcript-rebuilt; emitter-appended) ---
"""Pipeline reference for scband-take-last-18416819765252 (READ-ONLY COPY).

The authoritative reference and input builder live on the scoring server;
editing this copy changes nothing except your own understanding.
"""

import jax, jax.numpy as jnp
import numpy as np

B, T, D = 16, 4096, 1024

def setup_inputs(seed: int = 0) -> dict:
    key = jax.random.key(seed)
    kx, ks = jax.random.split(key)
    x = jax.random.normal(kx, (B, T, D), dtype=jnp.float32)
    # seq_len values in [1, T] so that seq_len - 1 is a valid non-negative index
    seq_len = jax.random.randint(ks, (B,), 1, T + 1, dtype=jnp.int64 if jax.config.jax_enable_x64 else jnp.int32)
    return {"x": x, "seq_len": seq_len}

def reference(x, seq_len):
    # TakeLast with axis=1: axis == 1, so no transpose needed.
    # x[arange(B), seq_len - 1] -> gather the last valid token of each sequence.
    idx = seq_len - 1
    out = x[jnp.arange(x.shape[0]), idx]
    return out

if __name__ == "__main__":
    import jax
    _d = setup_inputs()
    print(jax.jit(kernel)(*tuple(_d.values())))

</pallas_src>

<mosaic_0001>
#map = affine_map<(d0) -> (0, 0)>
#map1 = affine_map<(d0) -> (0)>
module attributes {stable_mosaic.version = 14 : i64} {
  func.func @_take_last_body(%arg0: i32, %arg1: memref<65536x1024xf32, #tpu.memory_space<hbm>>, %arg2: memref<16xi32, #tpu.memory_space<hbm>>, %arg3: memref<16x1024xf32, #tpu.memory_space<hbm>>, %arg4: memref<16xi32, #tpu.memory_space<smem>>, %arg5: memref<!tpu.dma_semaphore, #tpu.memory_space<semaphore_mem>>) attributes {dimension_semantics = [#tpu.dimension_semantics<core_parallel>], iteration_bounds = array<i64: 1>, scalar_prefetch = 0 : i64, scratch_operands = 2 : i64, tpu.core_type = #tpu.core_type<sc_scalar_subcore>, window_params = [{transform_indices = #map}, {transform_indices = #map1}, {transform_indices = #map}]} {
    "tpu.region"() ({
      %run_scoped3A = tpu.sem_alloc : memref<!tpu.dma_semaphore, #tpu.memory_space<semaphore_mem>>
      tpu.enqueue_dma source(%arg2 : memref<16xi32, #tpu.memory_space<hbm>>) target(%arg4 : memref<16xi32, #tpu.memory_space<smem>>) target_semaphore(%run_scoped3A : memref<!tpu.dma_semaphore, #tpu.memory_space<semaphore_mem>>)
      tpu.wait_dma2 semaphore(%run_scoped3A : memref<!tpu.dma_semaphore, #tpu.memory_space<semaphore_mem>>) src(%arg2 : memref<16xi32, #tpu.memory_space<hbm>>) dst(%arg4 : memref<16xi32, #tpu.memory_space<smem>>)
      tpu.yield
    }) : () -> ()
    %get3A = arith.constant 0 : i32
    %get3A_0 = arith.index_cast %get3A : i32 to index
    %get3A_1 = memref.load %arg4[%get3A_0] : memref<16xi32, #tpu.memory_space<smem>>
    %add3A = arith.constant 0 : i32
    %add3A_2 = arith.addi %add3A, %get3A_1 : i32
    %sub3A = arith.constant 1 : i32
    %sub3A_3 = arith.subi %add3A_2, %sub3A : i32
    %dma_start3A = arith.constant 0 : i32
    %dma_start3A_4 = arith.constant 0 : i32
    %dma_start3A_5 = tpu.memref_slice %arg3[%dma_start3A, %dma_start3A_4] : memref<16x1024xf32, #tpu.memory_space<hbm>> -> memref<1x1024xf32, #tpu.memory_space<hbm>>
    %dma_start3A_6 = tpu.memref_squeeze %dma_start3A_5 : memref<1x1024xf32, #tpu.memory_space<hbm>> -> memref<1024xf32, #tpu.memory_space<hbm>>
    %dma_start3A_7 = arith.constant 0 : i32
    %dma_start3A_8 = tpu.memref_slice %arg1[%sub3A_3, %dma_start3A_7] : memref<65536x1024xf32, #tpu.memory_space<hbm>> -> memref<1x1024xf32, #tpu.memory_space<hbm>>
    %dma_start3A_9 = tpu.memref_squeeze %dma_start3A_8 : memref<1x1024xf32, #tpu.memory_space<hbm>> -> memref<1024xf32, #tpu.memory_space<hbm>>
    tpu.enqueue_dma source(%dma_start3A_9 : memref<1024xf32, #tpu.memory_space<hbm>>) target(%dma_start3A_6 : memref<1024xf32, #tpu.memory_space<hbm>>) target_semaphore(%arg5 : memref<!tpu.dma_semaphore, #tpu.memory_space<semaphore_mem>>)
    %get3A_10 = arith.constant 1 : i32
    %get3A_11 = arith.index_cast %get3A_10 : i32 to index
    %get3A_12 = memref.load %arg4[%get3A_11] : memref<16xi32, #tpu.memory_space<smem>>
    %add3A_13 = arith.constant 4096 : i32
    %add3A_14 = arith.addi %add3A_13, %get3A_12 : i32
    %sub3A_15 = arith.constant 1 : i32
    %sub3A_16 = arith.subi %add3A_14, %sub3A_15 : i32
    %dma_start3A_17 = arith.constant 1 : i32
    %dma_start3A_18 = arith.constant 0 : i32
    %dma_start3A_19 = tpu.memref_slice %arg3[%dma_start3A_17, %dma_start3A_18] : memref<16x1024xf32, #tpu.memory_space<hbm>> -> memref<1x1024xf32, #tpu.memory_space<hbm>>
    %dma_start3A_20 = tpu.memref_squeeze %dma_start3A_19 : memref<1x1024xf32, #tpu.memory_space<hbm>> -> memref<1024xf32, #tpu.memory_space<hbm>>
    %dma_start3A_21 = arith.constant 0 : i32
    %dma_start3A_22 = tpu.memref_slice %arg1[%sub3A_16, %dma_start3A_21] : memref<65536x1024xf32, #tpu.memory_space<hbm>> -> memref<1x1024xf32, #tpu.memory_space<hbm>>
    %dma_start3A_23 = tpu.memref_squeeze %dma_start3A_22 : memref<1x1024xf32, #tpu.memory_space<hbm>> -> memref<1024xf32, #tpu.memory_space<hbm>>
    tpu.enqueue_dma source(%dma_start3A_23 : memref<1024xf32, #tpu.memory_space<hbm>>) target(%dma_start3A_20 : memref<1024xf32, #tpu.memory_space<hbm>>) target_semaphore(%arg5 : memref<!tpu.dma_semaphore, #tpu.memory_space<semaphore_mem>>)
    %get3A_24 = arith.constant 2 : i32
    %get3A_25 = arith.index_cast %get3A_24 : i32 to index
    %get3A_26 = memref.load %arg4[%get3A_25] : memref<16xi32, #tpu.memory_space<smem>>
    %add3A_27 = arith.constant 8192 : i32
    %add3A_28 = arith.addi %add3A_27, %get3A_26 : i32
    %sub3A_29 = arith.constant 1 : i32
    %sub3A_30 = arith.subi %add3A_28, %sub3A_29 : i32
    %dma_start3A_31 = arith.constant 2 : i32
    %dma_start3A_32 = arith.constant 0 : i32
    %dma_start3A_33 = tpu.memref_slice %arg3[%dma_start3A_31, %dma_start3A_32] : memref<16x1024xf32, #tpu.memory_space<hbm>> -> memref<1x1024xf32, #tpu.memory_space<hbm>>
    %dma_start3A_34 = tpu.memref_squeeze %dma_start3A_33 : memref<1x1024xf32, #tpu.memory_space<hbm>> -> memref<1024xf32, #tpu.memory_space<hbm>>
    %dma_start3A_35 = arith.constant 0 : i32
    %dma_start3A_36 = tpu.memref_slice %arg1[%sub3A_30, %dma_start3A_35] : memref<65536x1024xf32, #tpu.memory_space<hbm>> -> memref<1x1024xf32, #tpu.memory_space<hbm>>
    %dma_start3A_37 = tpu.memref_squeeze %dma_start3A_36 : memref<1x1024xf32, #tpu.memory_space<hbm>> -> memref<1024xf32, #tpu.memory_space<hbm>>
    tpu.enqueue_dma source(%dma_start3A_37 : memref<1024xf32, #tpu.memory_space<hbm>>) target(%dma_start3A_34 : memref<1024xf32, #tpu.memory_space<hbm>>) target_semaphore(%arg5 : memref<!tpu.dma_semaphore, #tpu.memory_space<semaphore_mem>>)
    %get3A_38 = arith.constant 3 : i32
    %get3A_39 = arith.index_cast %get3A_38 : i32 to index
    %get3A_40 = memref.load %arg4[%get3A_39] : memref<16xi32, #tpu.memory_space<smem>>
    %add3A_41 = arith.constant 12288 : i32
    %add3A_42 = arith.addi %add3A_41, %get3A_40 : i32
    %sub3A_43 = arith.constant 1 : i32
    %sub3A_44 = arith.subi %add3A_42, %sub3A_43 : i32
    %dma_start3A_45 = arith.constant 3 : i32
    %dma_start3A_46 = arith.constant 0 : i32
    %dma_start3A_47 = tpu.memref_slice %arg3[%dma_start3A_45, %dma_start3A_46] : memref<16x1024xf32, #tpu.memory_space<hbm>> -> memref<1x1024xf32, #tpu.memory_space<hbm>>
    %dma_start3A_48 = tpu.memref_squeeze %dma_start3A_47 : memref<1x1024xf32, #tpu.memory_space<hbm>> -> memref<1024xf32, #tpu.memory_space<hbm>>
    %dma_start3A_49 = arith.constant 0 : i32
    %dma_start3A_50 = tpu.memref_slice %arg1[%sub3A_44, %dma_start3A_49] : memref<65536x1024xf32, #tpu.memory_space<hbm>> -> memref<1x1024xf32, #tpu.memory_space<hbm>>
    %dma_start3A_51 = tpu.memref_squeeze %dma_start3A_50 : memref<1x1024xf32, #tpu.memory_space<hbm>> -> memref<1024xf32, #tpu.memory_space<hbm>>
    tpu.enqueue_dma source(%dma_start3A_51 : memref<1024xf32, #tpu.memory_space<hbm>>) target(%dma_start3A_48 : memref<1024xf32, #tpu.memory_space<hbm>>) target_semaphore(%arg5 : memref<!tpu.dma_semaphore, #tpu.memory_space<semaphore_mem>>)
    %get3A_52 = arith.constant 4 : i32
    %get3A_53 = arith.index_cast %get3A_52 : i32 to index
    %get3A_54 = memref.load %arg4[%get3A_53] : memref<16xi32, #tpu.memory_space<smem>>
    %add3A_55 = arith.constant 16384 : i32
    %add3A_56 = arith.addi %add3A_55, %get3A_54 : i32
    %sub3A_57 = arith.constant 1 : i32
    %sub3A_58 = arith.subi %add3A_56, %sub3A_57 : i32
    %dma_start3A_59 = arith.constant 4 : i32
    %dma_start3A_60 = arith.constant 0 : i32
    %dma_start3A_61 = tpu.memref_slice %arg3[%dma_start3A_59, %dma_start3A_60] : memref<16x1024xf32, #tpu.memory_space<hbm>> -> memref<1x1024xf32, #tpu.memory_space<hbm>>
    %dma_start3A_62 = tpu.memref_squeeze %dma_start3A_61 : memref<1x1024xf32, #tpu.memory_space<hbm>> -> memref<1024xf32, #tpu.memory_space<hbm>>
    %dma_start3A_63 = arith.constant 0 : i32
    %dma_start3A_64 = tpu.memref_slice %arg1[%sub3A_58, %dma_start3A_63] : memref<65536x1024xf32, #tpu.memory_space<hbm>> -> memref<1x1024xf32, #tpu.memory_space<hbm>>
    %dma_start3A_65 = tpu.memref_squeeze %dma_start3A_64 : memref<1x1024xf32, #tpu.memory_space<hbm>> -> memref<1024xf32, #tpu.memory_space<hbm>>
    tpu.enqueue_dma source(%dma_start3A_65 : memref<1024xf32, #tpu.memory_space<hbm>>) target(%dma_start3A_62 : memref<1024xf32, #tpu.memory_space<hbm>>) target_semaphore(%arg5 : memref<!tpu.dma_semaphore, #tpu.memory_space<semaphore_mem>>)
    %get3A_66 = arith.constant 5 : i32
    %get3A_67 = arith.index_cast %get3A_66 : i32 to index
    %get3A_68 = memref.load %arg4[%get3A_67] : memref<16xi32, #tpu.memory_space<smem>>
    %add3A_69 = arith.constant 20480 : i32
    %add3A_70 = arith.addi %add3A_69, %get3A_68 : i32
    %sub3A_71 = arith.constant 1 : i32
    %sub3A_72 = arith.subi %add3A_70, %sub3A_71 : i32
    %dma_start3A_73 = arith.constant 5 : i32
    %dma_start3A_74 = arith.constant 0 : i32
    %dma_start3A_75 = tpu.memref_slice %arg3[%dma_start3A_73, %dma_start3A_74] : memref<16x1024xf32, #tpu.memory_space<hbm>> -> memref<1x1024xf32, #tpu.memory_space<hbm>>
    %dma_start3A_76 = tpu.memref_squeeze %dma_start3A_75 : memref<1x1024xf32, #tpu.memory_space<hbm>> -> memref<1024xf32, #tpu.memory_space<hbm>>
    %dma_start3A_77 = arith.constant 0 : i32
    %dma_start3A_78 = tpu.memref_slice %arg1[%sub3A_72, %dma_start3A_77] : memref<65536x1024xf32, #tpu.memory_space<hbm>> -> memref<1x1024xf32, #tpu.memory_space<hbm>>
    %dma_start3A_79 = tpu.memref_squeeze %dma_start3A_78 : memref<1x1024xf32, #tpu.memory_space<hbm>> -> memref<1024xf32, #tpu.memory_space<hbm>>
    tpu.enqueue_dma source(%dma_start3A_79 : memref<1024xf32, #tpu.memory_space<hbm>>) target(%dma_start3A_76 : memref<1024xf32, #tpu.memory_space<hbm>>) target_semaphore(%arg5 : memref<!tpu.dma_semaphore, #tpu.memory_space<semaphore_mem>>)
    %get3A_80 = arith.constant 6 : i32
    %get3A_81 = arith.index_cast %get3A_80 : i32 to index
    %get3A_82 = memref.load %arg4[%get3A_81] : memref<16xi32, #tpu.memory_space<smem>>
    %add3A_83 = arith.constant 24576 : i32
    %add3A_84 = arith.addi %add3A_83, %get3A_82 : i32
    %sub3A_85 = arith.constant 1 : i32
    %sub3A_86 = arith.subi %add3A_84, %sub3A_85 : i32
    %dma_start3A_87 = arith.constant 6 : i32
    %dma_start3A_88 = arith.constant 0 : i32
    %dma_start3A_89 = tpu.memref_slice %arg3[%dma_start3A_87, %dma_start3A_88] : memref<16x1024xf32, #tpu.memory_space<hbm>> -> memref<1x1024xf32, #tpu.memory_space<hbm>>
    %dma_start3A_90 = tpu.memref_squeeze %dma_start3A_89 : memref<1x1024xf32, #tpu.memory_space<hbm>> -> memref<1024xf32, #tpu.memory_space<hbm>>
    %dma_start3A_91 = arith.constant 0 : i32
    %dma_start3A_92 = tpu.memref_slice %arg1[%sub3A_86, %dma_start3A_91] : memref<65536x1024xf32, #tpu.memory_space<hbm>> -> memref<1x1024xf32, #tpu.memory_space<hbm>>
    %dma_start3A_93 = tpu.memref_squeeze %dma_start3A_92 : memref<1x1024xf32, #tpu.memory_space<hbm>> -> memref<1024xf32, #tpu.memory_space<hbm>>
    tpu.enqueue_dma source(%dma_start3A_93 : memref<1024xf32, #tpu.memory_space<hbm>>) target(%dma_start3A_90 : memref<1024xf32, #tpu.memory_space<hbm>>) target_semaphore(%arg5 : memref<!tpu.dma_semaphore, #tpu.memory_space<semaphore_mem>>)
    %get3A_94 = arith.constant 7 : i32
    %get3A_95 = arith.index_cast %get3A_94 : i32 to index
    %get3A_96 = memref.load %arg4[%get3A_95] : memref<16xi32, #tpu.memory_space<smem>>
    %add3A_97 = arith.constant 28672 : i32
    %add3A_98 = arith.addi %add3A_97, %get3A_96 : i32
    %sub3A_99 = arith.constant 1 : i32
    %sub3A_100 = arith.subi %add3A_98, %sub3A_99 : i32
    %dma_start3A_101 = arith.constant 7 : i32
    %dma_start3A_102 = arith.constant 0 : i32
    %dma_start3A_103 = tpu.memref_slice %arg3[%dma_start3A_101, %dma_start3A_102] : memref<16x1024xf32, #tpu.memory_space<hbm>> -> memref<1x1024xf32, #tpu.memory_space<hbm>>
    %dma_start3A_104 = tpu.memref_squeeze %dma_start3A_103 : memref<1x1024xf32, #tpu.memory_space<hbm>> -> memref<1024xf32, #tpu.memory_space<hbm>>
    %dma_start3A_105 = arith.constant 0 : i32
    %dma_start3A_106 = tpu.memref_slice %arg1[%sub3A_100, %dma_start3A_105] : memref<65536x1024xf32, #tpu.memory_space<hbm>> -> memref<1x1024xf32, #tpu.memory_space<hbm>>
    %dma_start3A_107 = tpu.memref_squeeze %dma_start3A_106 : memref<1x1024xf32, #tpu.memory_space<hbm>> -> memref<1024xf32, #tpu.memory_space<hbm>>
    tpu.enqueue_dma source(%dma_start3A_107 : memref<1024xf32, #tpu.memory_space<hbm>>) target(%dma_start3A_104 : memref<1024xf32, #tpu.memory_space<hbm>>) target_semaphore(%arg5 : memref<!tpu.dma_semaphore, #tpu.memory_space<semaphore_mem>>)
    %get3A_108 = arith.constant 8 : i32
    %get3A_109 = arith.index_cast %get3A_108 : i32 to index
    %get3A_110 = memref.load %arg4[%get3A_109] : memref<16xi32, #tpu.memory_space<smem>>
    %add3A_111 = arith.constant 32768 : i32
    %add3A_112 = arith.addi %add3A_111, %get3A_110 : i32
    %sub3A_113 = arith.constant 1 : i32
    %sub3A_114 = arith.subi %add3A_112, %sub3A_113 : i32
    %dma_start3A_115 = arith.constant 8 : i32
    %dma_start3A_116 = arith.constant 0 : i32
    %dma_start3A_117 = tpu.memref_slice %arg3[%dma_start3A_115, %dma_start3A_116] : memref<16x1024xf32, #tpu.memory_space<hbm>> -> memref<1x1024xf32, #tpu.memory_space<hbm>>
    %dma_start3A_118 = tpu.memref_squeeze %dma_start3A_117 : memref<1x1024xf32, #tpu.memory_space<hbm>> -> memref<1024xf32, #tpu.memory_space<hbm>>
    %dma_start3A_119 = arith.constant 0 : i32
    %dma_start3A_120 = tpu.memref_slice %arg1[%sub3A_114, %dma_start3A_119] : memref<65536x1024xf32, #tpu.memory_space<hbm>> -> memref<1x1024xf32, #tpu.memory_space<hbm>>
    %dma_start3A_121 = tpu.memref_squeeze %dma_start3A_120 : memref<1x1024xf32, #tpu.memory_space<hbm>> -> memref<1024xf32, #tpu.memory_space<hbm>>
    tpu.enqueue_dma source(%dma_start3A_121 : memref<1024xf32, #tpu.memory_space<hbm>>) target(%dma_start3A_118 : memref<1024xf32, #tpu.memory_space<hbm>>) target_semaphore(%arg5 : memref<!tpu.dma_semaphore, #tpu.memory_space<semaphore_mem>>)
    %get3A_122 = arith.constant 9 : i32
    %get3A_123 = arith.index_cast %get3A_122 : i32 to index
    %get3A_124 = memref.load %arg4[%get3A_123] : memref<16xi32, #tpu.memory_space<smem>>
    %add3A_125 = arith.constant 36864 : i32
    %add3A_126 = arith.addi %add3A_125, %get3A_124 : i32
    %sub3A_127 = arith.constant 1 : i32
    %sub3A_128 = arith.subi %add3A_126, %sub3A_127 : i32
    %dma_start3A_129 = arith.constant 9 : i32
    %dma_start3A_130 = arith.constant 0 : i32
    %dma_start3A_131 = tpu.memref_slice %arg3[%dma_start3A_129, %dma_start3A_130] : memref<16x1024xf32, #tpu.memory_space<hbm>> -> memref<1x1024xf32, #tpu.memory_space<hbm>>
    %dma_start3A_132 = tpu.memref_squeeze %dma_start3A_131 : memref<1x1024xf32, #tpu.memory_space<hbm>> -> memref<1024xf32, #tpu.memory_space<hbm>>
    %dma_start3A_133 = arith.constant 0 : i32
    %dma_start3A_134 = tpu.memref_slice %arg1[%sub3A_128, %dma_start3A_133] : memref<65536x1024xf32, #tpu.memory_space<hbm>> -> memref<1x1024xf32, #tpu.memory_space<hbm>>
    %dma_start3A_135 = tpu.memref_squeeze %dma_start3A_134 : memref<1x1024xf32, #tpu.memory_space<hbm>> -> memref<1024xf32, #tpu.memory_space<hbm>>
    tpu.enqueue_dma source(%dma_start3A_135 : memref<1024xf32, #tpu.memory_space<hbm>>) target(%dma_start3A_132 : memref<1024xf32, #tpu.memory_space<hbm>>) target_semaphore(%arg5 : memref<!tpu.dma_semaphore, #tpu.memory_space<semaphore_mem>>)
    %get3A_136 = arith.constant 10 : i32
    %get3A_137 = arith.index_cast %get3A_136 : i32 to index
    %get3A_138 = memref.load %arg4[%get3A_137] : memref<16xi32, #tpu.memory_space<smem>>
    %add3A_139 = arith.constant 40960 : i32
    %add3A_140 = arith.addi %add3A_139, %get3A_138 : i32
    %sub3A_141 = arith.constant 1 : i32
    %sub3A_142 = arith.subi %add3A_140, %sub3A_141 : i32
    %dma_start3A_143 = arith.constant 10 : i32
    %dma_start3A_144 = arith.constant 0 : i32
    %dma_start3A_145 = tpu.memref_slice %arg3[%dma_start3A_143, %dma_start3A_144] : memref<16x1024xf32, #tpu.memory_space<hbm>> -> memref<1x1024xf32, #tpu.memory_space<hbm>>
    %dma_start3A_146 = tpu.memref_squeeze %dma_start3A_145 : memref<1x1024xf32, #tpu.memory_space<hbm>> -> memref<1024xf32, #tpu.memory_space<hbm>>
    %dma_start3A_147 = arith.constant 0 : i32
    %dma_start3A_148 = tpu.memref_slice %arg1[%sub3A_142, %dma_start3A_147] : memref<65536x1024xf32, #tpu.memory_space<hbm>> -> memref<1x1024xf32, #tpu.memory_space<hbm>>
    %dma_start3A_149 = tpu.memref_squeeze %dma_start3A_148 : memref<1x1024xf32, #tpu.memory_space<hbm>> -> memref<1024xf32, #tpu.memory_space<hbm>>
    tpu.enqueue_dma source(%dma_start3A_149 : memref<1024xf32, #tpu.memory_space<hbm>>) target(%dma_start3A_146 : memref<1024xf32, #tpu.memory_space<hbm>>) target_semaphore(%arg5 : memref<!tpu.dma_semaphore, #tpu.memory_space<semaphore_mem>>)
    %get3A_150 = arith.constant 11 : i32
    %get3A_151 = arith.index_cast %get3A_150 : i32 to index
    %get3A_152 = memref.load %arg4[%get3A_151] : memref<16xi32, #tpu.memory_space<smem>>
    %add3A_153 = arith.constant 45056 : i32
    %add3A_154 = arith.addi %add3A_153, %get3A_152 : i32
    %sub3A_155 = arith.constant 1 : i32
    %sub3A_156 = arith.subi %add3A_154, %sub3A_155 : i32
    %dma_start3A_157 = arith.constant 11 : i32
    %dma_start3A_158 = arith.constant 0 : i32
    %dma_start3A_159 = tpu.memref_slice %arg3[%dma_start3A_157, %dma_start3A_158] : memref<16x1024xf32, #tpu.memory_space<hbm>> -> memref<1x1024xf32, #tpu.memory_space<hbm>>
    %dma_start3A_160 = tpu.memref_squeeze %dma_start3A_159 : memref<1x1024xf32, #tpu.memory_space<hbm>> -> memref<1024xf32, #tpu.memory_space<hbm>>
    %dma_start3A_161 = arith.constant 0 : i32
    %dma_start3A_162 = tpu.memref_slice %arg1[%sub3A_156, %dma_start3A_161] : memref<65536x1024xf32, #tpu.memory_space<hbm>> -> memref<1x1024xf32, #tpu.memory_space<hbm>>
    %dma_start3A_163 = tpu.memref_squeeze %dma_start3A_162 : memref<1x1024xf32, #tpu.memory_space<hbm>> -> memref<1024xf32, #tpu.memory_space<hbm>>
    tpu.enqueue_dma source(%dma_start3A_163 : memref<1024xf32, #tpu.memory_space<hbm>>) target(%dma_start3A_160 : memref<1024xf32, #tpu.memory_space<hbm>>) target_semaphore(%arg5 : memref<!tpu.dma_semaphore, #tpu.memory_space<semaphore_mem>>)
    %get3A_164 = arith.constant 12 : i32
    %get3A_165 = arith.index_cast %get3A_164 : i32 to index
    %get3A_166 = memref.load %arg4[%get3A_165] : memref<16xi32, #tpu.memory_space<smem>>
    %add3A_167 = arith.constant 49152 : i32
    %add3A_168 = arith.addi %add3A_167, %get3A_166 : i32
    %sub3A_169 = arith.constant 1 : i32
    %sub3A_170 = arith.subi %add3A_168, %sub3A_169 : i32
    %dma_start3A_171 = arith.constant 12 : i32
    %dma_start3A_172 = arith.constant 0 : i32
    %dma_start3A_173 = tpu.memref_slice %arg3[%dma_start3A_171, %dma_start3A_172] : memref<16x1024xf32, #tpu.memory_space<hbm>> -> memref<1x1024xf32, #tpu.memory_space<hbm>>
    %dma_start3A_174 = tpu.memref_squeeze %dma_start3A_173 : memref<1x1024xf32, #tpu.memory_space<hbm>> -> memref<1024xf32, #tpu.memory_space<hbm>>
    %dma_start3A_175 = arith.constant 0 : i32
    %dma_start3A_176 = tpu.memref_slice %arg1[%sub3A_170, %dma_start3A_175] : memref<65536x1024xf32, #tpu.memory_space<hbm>> -> memref<1x1024xf32, #tpu.memory_space<hbm>>
    %dma_start3A_177 = tpu.memref_squeeze %dma_start3A_176 : memref<1x1024xf32, #tpu.memory_space<hbm>> -> memref<1024xf32, #tpu.memory_space<hbm>>
    tpu.enqueue_dma source(%dma_start3A_177 : memref<1024xf32, #tpu.memory_space<hbm>>) target(%dma_start3A_174 : memref<1024xf32, #tpu.memory_space<hbm>>) target_semaphore(%arg5 : memref<!tpu.dma_semaphore, #tpu.memory_space<semaphore_mem>>)
    %get3A_178 = arith.constant 13 : i32
    %get3A_179 = arith.index_cast %get3A_178 : i32 to index
    %get3A_180 = memref.load %arg4[%get3A_179] : memref<16xi32, #tpu.memory_space<smem>>
    %add3A_181 = arith.constant 53248 : i32
    %add3A_182 = arith.addi %add3A_181, %get3A_180 : i32
    %sub3A_183 = arith.constant 1 : i32
    %sub3A_184 = arith.subi %add3A_182, %sub3A_183 : i32
    %dma_start3A_185 = arith.constant 13 : i32
    %dma_start3A_186 = arith.constant 0 : i32
    %dma_start3A_187 = tpu.memref_slice %arg3[%dma_start3A_185, %dma_start3A_186] : memref<16x1024xf32, #tpu.memory_space<hbm>> -> memref<1x1024xf32, #tpu.memory_space<hbm>>
    %dma_start3A_188 = tpu.memref_squeeze %dma_start3A_187 : memref<1x1024xf32, #tpu.memory_space<hbm>> -> memref<1024xf32, #tpu.memory_space<hbm>>
    %dma_start3A_189 = arith.constant 0 : i32
    %dma_start3A_190 = tpu.memref_slice %arg1[%sub3A_184, %dma_start3A_189] : memref<65536x1024xf32, #tpu.memory_space<hbm>> -> memref<1x1024xf32, #tpu.memory_space<hbm>>
    %dma_start3A_191 = tpu.memref_squeeze %dma_start3A_190 : memref<1x1024xf32, #tpu.memory_space<hbm>> -> memref<1024xf32, #tpu.memory_space<hbm>>
    tpu.enqueue_dma source(%dma_start3A_191 : memref<1024xf32, #tpu.memory_space<hbm>>) target(%dma_start3A_188 : memref<1024xf32, #tpu.memory_space<hbm>>) target_semaphore(%arg5 : memref<!tpu.dma_semaphore, #tpu.memory_space<semaphore_mem>>)
    %get3A_192 = arith.constant 14 : i32
    %get3A_193 = arith.index_cast %get3A_192 : i32 to index
    %get3A_194 = memref.load %arg4[%get3A_193] : memref<16xi32, #tpu.memory_space<smem>>
    %add3A_195 = arith.constant 57344 : i32
    %add3A_196 = arith.addi %add3A_195, %get3A_194 : i32
    %sub3A_197 = arith.constant 1 : i32
    %sub3A_198 = arith.subi %add3A_196, %sub3A_197 : i32
    %dma_start3A_199 = arith.constant 14 : i32
    %dma_start3A_200 = arith.constant 0 : i32
    %dma_start3A_201 = tpu.memref_slice %arg3[%dma_start3A_199, %dma_start3A_200] : memref<16x1024xf32, #tpu.memory_space<hbm>> -> memref<1x1024xf32, #tpu.memory_space<hbm>>
    %dma_start3A_202 = tpu.memref_squeeze %dma_start3A_201 : memref<1x1024xf32, #tpu.memory_space<hbm>> -> memref<1024xf32, #tpu.memory_space<hbm>>
    %dma_start3A_203 = arith.constant 0 : i32
    %dma_start3A_204 = tpu.memref_slice %arg1[%sub3A_198, %dma_start3A_203] : memref<65536x1024xf32, #tpu.memory_space<hbm>> -> memref<1x1024xf32, #tpu.memory_space<hbm>>
    %dma_start3A_205 = tpu.memref_squeeze %dma_start3A_204 : memref<1x1024xf32, #tpu.memory_space<hbm>> -> memref<1024xf32, #tpu.memory_space<hbm>>
    tpu.enqueue_dma source(%dma_start3A_205 : memref<1024xf32, #tpu.memory_space<hbm>>) target(%dma_start3A_202 : memref<1024xf32, #tpu.memory_space<hbm>>) target_semaphore(%arg5 : memref<!tpu.dma_semaphore, #tpu.memory_space<semaphore_mem>>)
    %get3A_206 = arith.constant 15 : i32
    %get3A_207 = arith.index_cast %get3A_206 : i32 to index
    %get3A_208 = memref.load %arg4[%get3A_207] : memref<16xi32, #tpu.memory_space<smem>>
    %add3A_209 = arith.constant 61440 : i32
    %add3A_210 = arith.addi %add3A_209, %get3A_208 : i32
    %sub3A_211 = arith.constant 1 : i32
    %sub3A_212 = arith.subi %add3A_210, %sub3A_211 : i32
    %dma_start3A_213 = arith.constant 15 : i32
    %dma_start3A_214 = arith.constant 0 : i32
    %dma_start3A_215 = tpu.memref_slice %arg3[%dma_start3A_213, %dma_start3A_214] : memref<16x1024xf32, #tpu.memory_space<hbm>> -> memref<1x1024xf32, #tpu.memory_space<hbm>>
    %dma_start3A_216 = tpu.memref_squeeze %dma_start3A_215 : memref<1x1024xf32, #tpu.memory_space<hbm>> -> memref<1024xf32, #tpu.memory_space<hbm>>
    %dma_start3A_217 = arith.constant 0 : i32
    %dma_start3A_218 = tpu.memref_slice %arg1[%sub3A_212, %dma_start3A_217] : memref<65536x1024xf32, #tpu.memory_space<hbm>> -> memref<1x1024xf32, #tpu.memory_space<hbm>>
    %dma_start3A_219 = tpu.memref_squeeze %dma_start3A_218 : memref<1x1024xf32, #tpu.memory_space<hbm>> -> memref<1024xf32, #tpu.memory_space<hbm>>
    tpu.enqueue_dma source(%dma_start3A_219 : memref<1024xf32, #tpu.memory_space<hbm>>) target(%dma_start3A_216 : memref<1024xf32, #tpu.memory_space<hbm>>) target_semaphore(%arg5 : memref<!tpu.dma_semaphore, #tpu.memory_space<semaphore_mem>>)
    %dma_wait3A = arith.constant 0 : i32
    %dma_wait3A_220 = arith.constant 0 : i32
    %dma_wait3A_221 = tpu.memref_slice %arg3[%dma_wait3A, %dma_wait3A_220] : memref<16x1024xf32, #tpu.memory_space<hbm>> -> memref<1x1024xf32, #tpu.memory_space<hbm>>
    %dma_wait3A_222 = tpu.memref_squeeze %dma_wait3A_221 : memref<1x1024xf32, #tpu.memory_space<hbm>> -> memref<1024xf32, #tpu.memory_space<hbm>>
    %dma_wait3A_223 = arith.constant 0 : i32
    %dma_wait3A_224 = tpu.memref_slice %arg1[%sub3A_3, %dma_wait3A_223] : memref<65536x1024xf32, #tpu.memory_space<hbm>> -> memref<1x1024xf32, #tpu.memory_space<hbm>>
    %dma_wait3A_225 = tpu.memref_squeeze %dma_wait3A_224 : memref<1x1024xf32, #tpu.memory_space<hbm>> -> memref<1024xf32, #tpu.memory_space<hbm>>
    tpu.wait_dma2 semaphore(%arg5 : memref<!tpu.dma_semaphore, #tpu.memory_space<semaphore_mem>>) src(%dma_wait3A_225 : memref<1024xf32, #tpu.memory_space<hbm>>) dst(%dma_wait3A_222 : memref<1024xf32, #tpu.memory_space<hbm>>)
    %dma_wait3A_226 = arith.constant 1 : i32
    %dma_wait3A_227 = arith.constant 0 : i32
    %dma_wait3A_228 = tpu.memref_slice %arg3[%dma_wait3A_226, %dma_wait3A_227] : memref<16x1024xf32, #tpu.memory_space<hbm>> -> memref<1x1024xf32, #tpu.memory_space<hbm>>
    %dma_wait3A_229 = tpu.memref_squeeze %dma_wait3A_228 : memref<1x1024xf32, #tpu.memory_space<hbm>> -> memref<1024xf32, #tpu.memory_space<hbm>>
    %dma_wait3A_230 = arith.constant 0 : i32
    %dma_wait3A_231 = tpu.memref_slice %arg1[%sub3A_16, %dma_wait3A_230] : memref<65536x1024xf32, #tpu.memory_space<hbm>> -> memref<1x1024xf32, #tpu.memory_space<hbm>>
    %dma_wait3A_232 = tpu.memref_squeeze %dma_wait3A_231 : memref<1x1024xf32, #tpu.memory_space<hbm>> -> memref<1024xf32, #tpu.memory_space<hbm>>
    tpu.wait_dma2 semaphore(%arg5 : memref<!tpu.dma_semaphore, #tpu.memory_space<semaphore_mem>>) src(%dma_wait3A_232 : memref<1024xf32, #tpu.memory_space<hbm>>) dst(%dma_wait3A_229 : memref<1024xf32, #tpu.memory_space<hbm>>)
    %dma_wait3A_233 = arith.constant 2 : i32
    %dma_wait3A_234 = arith.constant 0 : i32
    %dma_wait3A_235 = tpu.memref_slice %arg3[%dma_wait3A_233, %dma_wait3A_234] : memref<16x1024xf32, #tpu.memory_space<hbm>> -> memref<1x1024xf32, #tpu.memory_space<hbm>>
    %dma_wait3A_236 = tpu.memref_squeeze %dma_wait3A_235 : memref<1x1024xf32, #tpu.memory_space<hbm>> -> memref<1024xf32, #tpu.memory_space<hbm>>
    %dma_wait3A_237 = arith.constant 0 : i32
    %dma_wait3A_238 = tpu.memref_slice %arg1[%sub3A_30, %dma_wait3A_237] : memref<65536x1024xf32, #tpu.memory_space<hbm>> -> memref<1x1024xf32, #tpu.memory_space<hbm>>
    %dma_wait3A_239 = tpu.memref_squeeze %dma_wait3A_238 : memref<1x1024xf32, #tpu.memory_space<hbm>> -> memref<1024xf32, #tpu.memory_space<hbm>>
    tpu.wait_dma2 semaphore(%arg5 : memref<!tpu.dma_semaphore, #tpu.memory_space<semaphore_mem>>) src(%dma_wait3A_239 : memref<1024xf32, #tpu.memory_space<hbm>>) dst(%dma_wait3A_236 : memref<1024xf32, #tpu.memory_space<hbm>>)
    %dma_wait3A_240 = arith.constant 3 : i32
    %dma_wait3A_241 = arith.constant 0 : i32
    %dma_wait3A_242 = tpu.memref_slice %arg3[%dma_wait3A_240, %dma_wait3A_241] : memref<16x1024xf32, #tpu.memory_space<hbm>> -> memref<1x1024xf32, #tpu.memory_space<hbm>>
    %dma_wait3A_243 = tpu.memref_squeeze %dma_wait3A_242 : memref<1x1024xf32, #tpu.memory_space<hbm>> -> memref<1024xf32, #tpu.memory_space<hbm>>
    %dma_wait3A_244 = arith.constant 0 : i32
    %dma_wait3A_245 = tpu.memref_slice %arg1[%sub3A_44, %dma_wait3A_244] : memref<65536x1024xf32, #tpu.memory_space<hbm>> -> memref<1x1024xf32, #tpu.memory_space<hbm>>
    %dma_wait3A_246 = tpu.memref_squeeze %dma_wait3A_245 : memref<1x1024xf32, #tpu.memory_space<hbm>> -> memref<1024xf32, #tpu.memory_space<hbm>>
    tpu.wait_dma2 semaphore(%arg5 : memref<!tpu.dma_semaphore, #tpu.memory_space<semaphore_mem>>) src(%dma_wait3A_246 : memref<1024xf32, #tpu.memory_space<hbm>>) dst(%dma_wait3A_243 : memref<1024xf32, #tpu.memory_space<hbm>>)
    %dma_wait3A_247 = arith.constant 4 : i32
    %dma_wait3A_248 = arith.constant 0 : i32
    %dma_wait3A_249 = tpu.memref_slice %arg3[%dma_wait3A_247, %dma_wait3A_248] : memref<16x1024xf32, #tpu.memory_space<hbm>> -> memref<1x1024xf32, #tpu.memory_space<hbm>>
    %dma_wait3A_250 = tpu.memref_squeeze %dma_wait3A_249 : memref<1x1024xf32, #tpu.memory_space<hbm>> -> memref<1024xf32, #tpu.memory_space<hbm>>
    %dma_wait3A_251 = arith.constant 0 : i32
    %dma_wait3A_252 = tpu.memref_slice %arg1[%sub3A_58, %dma_wait3A_251] : memref<65536x1024xf32, #tpu.memory_space<hbm>> -> memref<1x1024xf32, #tpu.memory_space<hbm>>
    %dma_wait3A_253 = tpu.memref_squeeze %dma_wait3A_252 : memref<1x1024xf32, #tpu.memory_space<hbm>> -> memref<1024xf32, #tpu.memory_space<hbm>>
    tpu.wait_dma2 semaphore(%arg5 : memref<!tpu.dma_semaphore, #tpu.memory_space<semaphore_mem>>) src(%dma_wait3A_253 : memref<1024xf32, #tpu.memory_space<hbm>>) dst(%dma_wait3A_250 : memref<1024xf32, #tpu.memory_space<hbm>>)
    %dma_wait3A_254 = arith.constant 5 : i32
    %dma_wait3A_255 = arith.constant 0 : i32
    %dma_wait3A_256 = tpu.memref_slice %arg3[%dma_wait3A_254, %dma_wait3A_255] : memref<16x1024xf32, #tpu.memory_space<hbm>> -> memref<1x1024xf32, #tpu.memory_space<hbm>>
    %dma_wait3A_257 = tpu.memref_squeeze %dma_wait3A_256 : memref<1x1024xf32, #tpu.memory_space<hbm>> -> memref<1024xf32, #tpu.memory_space<hbm>>
    %dma_wait3A_258 = arith.constant 0 : i32
    %dma_wait3A_259 = tpu.memref_slice %arg1[%sub3A_72, %dma_wait3A_258] : memref<65536x1024xf32, #tpu.memory_space<hbm>> -> memref<1x1024xf32, #tpu.memory_space<hbm>>
    %dma_wait3A_260 = tpu.memref_squeeze %dma_wait3A_259 : memref<1x1024xf32, #tpu.memory_space<hbm>> -> memref<1024xf32, #tpu.memory_space<hbm>>
    tpu.wait_dma2 semaphore(%arg5 : memref<!tpu.dma_semaphore, #tpu.memory_space<semaphore_mem>>) src(%dma_wait3A_260 : memref<1024xf32, #tpu.memory_space<hbm>>) dst(%dma_wait3A_257 : memref<1024xf32, #tpu.memory_space<hbm>>)
    %dma_wait3A_261 = arith.constant 6 : i32
    %dma_wait3A_262 = arith.constant 0 : i32
    %dma_wait3A_263 = tpu.memref_slice %arg3[%dma_wait3A_261, %dma_wait3A_262] : memref<16x1024xf32, #tpu.memory_space<hbm>> -> memref<1x1024xf32, #tpu.memory_space<hbm>>
    %dma_wait3A_264 = tpu.memref_squeeze %dma_wait3A_263 : memref<1x1024xf32, #tpu.memory_space<hbm>> -> memref<1024xf32, #tpu.memory_space<hbm>>
    %dma_wait3A_265 = arith.constant 0 : i32
    %dma_wait3A_266 = tpu.memref_slice %arg1[%sub3A_86, %dma_wait3A_265] : memref<65536x1024xf32, #tpu.memory_space<hbm>> -> memref<1x1024xf32, #tpu.memory_space<hbm>>
    %dma_wait3A_267 = tpu.memref_squeeze %dma_wait3A_266 : memref<1x1024xf32, #tpu.memory_space<hbm>> -> memref<1024xf32, #tpu.memory_space<hbm>>
    tpu.wait_dma2 semaphore(%arg5 : memref<!tpu.dma_semaphore, #tpu.memory_space<semaphore_mem>>) src(%dma_wait3A_267 : memref<1024xf32, #tpu.memory_space<hbm>>) dst(%dma_wait3A_264 : memref<1024xf32, #tpu.memory_space<hbm>>)
    %dma_wait3A_268 = arith.constant 7 : i32
    %dma_wait3A_269 = arith.constant 0 : i32
    %dma_wait3A_270 = tpu.memref_slice %arg3[%dma_wait3A_268, %dma_wait3A_269] : memref<16x1024xf32, #tpu.memory_space<hbm>> -> memref<1x1024xf32, #tpu.memory_space<hbm>>
    %dma_wait3A_271 = tpu.memref_squeeze %dma_wait3A_270 : memref<1x1024xf32, #tpu.memory_space<hbm>> -> memref<1024xf32, #tpu.memory_space<hbm>>
    %dma_wait3A_272 = arith.constant 0 : i32
    %dma_wait3A_273 = tpu.memref_slice %arg1[%sub3A_100, %dma_wait3A_272] : memref<65536x1024xf32, #tpu.memory_space<hbm>> -> memref<1x1024xf32, #tpu.memory_space<hbm>>
    %dma_wait3A_274 = tpu.memref_squeeze %dma_wait3A_273 : memref<1x1024xf32, #tpu.memory_space<hbm>> -> memref<1024xf32, #tpu.memory_space<hbm>>
    tpu.wait_dma2 semaphore(%arg5 : memref<!tpu.dma_semaphore, #tpu.memory_space<semaphore_mem>>) src(%dma_wait3A_274 : memref<1024xf32, #tpu.memory_space<hbm>>) dst(%dma_wait3A_271 : memref<1024xf32, #tpu.memory_space<hbm>>)
    %dma_wait3A_275 = arith.constant 8 : i32
    %dma_wait3A_276 = arith.constant 0 : i32
    %dma_wait3A_277 = tpu.memref_slice %arg3[%dma_wait3A_275, %dma_wait3A_276] : memref<16x1024xf32, #tpu.memory_space<hbm>> -> memref<1x1024xf32, #tpu.memory_space<hbm>>
    %dma_wait3A_278 = tpu.memref_squeeze %dma_wait3A_277 : memref<1x1024xf32, #tpu.memory_space<hbm>> -> memref<1024xf32, #tpu.memory_space<hbm>>
    %dma_wait3A_279 = arith.constant 0 : i32
    %dma_wait3A_280 = tpu.memref_slice %arg1[%sub3A_114, %dma_wait3A_279] : memref<65536x1024xf32, #tpu.memory_space<hbm>> -> memref<1x1024xf32, #tpu.memory_space<hbm>>
    %dma_wait3A_281 = tpu.memref_squeeze %dma_wait3A_280 : memref<1x1024xf32, #tpu.memory_space<hbm>> -> memref<1024xf32, #tpu.memory_space<hbm>>
    tpu.wait_dma2 semaphore(%arg5 : memref<!tpu.dma_semaphore, #tpu.memory_space<semaphore_mem>>) src(%dma_wait3A_281 : memref<1024xf32, #tpu.memory_space<hbm>>) dst(%dma_wait3A_278 : memref<1024xf32, #tpu.memory_space<hbm>>)
    %dma_wait3A_282 = arith.constant 9 : i32
    %dma_wait3A_283 = arith.constant 0 : i32
    %dma_wait3A_284 = tpu.memref_slice %arg3[%dma_wait3A_282, %dma_wait3A_283] : memref<16x1024xf32, #tpu.memory_space<hbm>> -> memref<1x1024xf32, #tpu.memory_space<hbm>>
    %dma_wait3A_285 = tpu.memref_squeeze %dma_wait3A_284 : memref<1x1024xf32, #tpu.memory_space<hbm>> -> memref<1024xf32, #tpu.memory_space<hbm>>
    %dma_wait3A_286 = arith.constant 0 : i32
    %dma_wait3A_287 = tpu.memref_slice %arg1[%sub3A_128, %dma_wait3A_286] : memref<65536x1024xf32, #tpu.memory_space<hbm>> -> memref<1x1024xf32, #tpu.memory_space<hbm>>
    %dma_wait3A_288 = tpu.memref_squeeze %dma_wait3A_287 : memref<1x1024xf32, #tpu.memory_space<hbm>> -> memref<1024xf32, #tpu.memory_space<hbm>>
    tpu.wait_dma2 semaphore(%arg5 : memref<!tpu.dma_semaphore, #tpu.memory_space<semaphore_mem>>) src(%dma_wait3A_288 : memref<1024xf32, #tpu.memory_space<hbm>>) dst(%dma_wait3A_285 : memref<1024xf32, #tpu.memory_space<hbm>>)
    %dma_wait3A_289 = arith.constant 10 : i32
    %dma_wait3A_290 = arith.constant 0 : i32
    %dma_wait3A_291 = tpu.memref_slice %arg3[%dma_wait3A_289, %dma_wait3A_290] : memref<16x1024xf32, #tpu.memory_space<hbm>> -> memref<1x1024xf32, #tpu.memory_space<hbm>>
    %dma_wait3A_292 = tpu.memref_squeeze %dma_wait3A_291 : memref<1x1024xf32, #tpu.memory_space<hbm>> -> memref<1024xf32, #tpu.memory_space<hbm>>
    %dma_wait3A_293 = arith.constant 0 : i32
    %dma_wait3A_294 = tpu.memref_slice %arg1[%sub3A_142, %dma_wait3A_293] : memref<65536x1024xf32, #tpu.memory_space<hbm>> -> memref<1x1024xf32, #tpu.memory_space<hbm>>
    %dma_wait3A_295 = tpu.memref_squeeze %dma_wait3A_294 : memref<1x1024xf32, #tpu.memory_space<hbm>> -> memref<1024xf32, #tpu.memory_space<hbm>>
    tpu.wait_dma2 semaphore(%arg5 : memref<!tpu.dma_semaphore, #tpu.memory_space<semaphore_mem>>) src(%dma_wait3A_295 : memref<1024xf32, #tpu.memory_space<hbm>>) dst(%dma_wait3A_292 : memref<1024xf32, #tpu.memory_space<hbm>>)
    %dma_wait3A_296 = arith.constant 11 : i32
    %dma_wait3A_297 = arith.constant 0 : i32
    %dma_wait3A_298 = tpu.memref_slice %arg3[%dma_wait3A_296, %dma_wait3A_297] : memref<16x1024xf32, #tpu.memory_space<hbm>> -> memref<1x1024xf32, #tpu.memory_space<hbm>>
    %dma_wait3A_299 = tpu.memref_squeeze %dma_wait3A_298 : memref<1x1024xf32, #tpu.memory_space<hbm>> -> memref<1024xf32, #tpu.memory_space<hbm>>
    %dma_wait3A_300 = arith.constant 0 : i32
    %dma_wait3A_301 = tpu.memref_slice %arg1[%sub3A_156, %dma_wait3A_300] : memref<65536x1024xf32, #tpu.memory_space<hbm>> -> memref<1x1024xf32, #tpu.memory_space<hbm>>
    %dma_wait3A_302 = tpu.memref_squeeze %dma_wait3A_301 : memref<1x1024xf32, #tpu.memory_space<hbm>> -> memref<1024xf32, #tpu.memory_space<hbm>>
    tpu.wait_dma2 semaphore(%arg5 : memref<!tpu.dma_semaphore, #tpu.memory_space<semaphore_mem>>) src(%dma_wait3A_302 : memref<1024xf32, #tpu.memory_space<hbm>>) dst(%dma_wait3A_299 : memref<1024xf32, #tpu.memory_space<hbm>>)
    %dma_wait3A_303 = arith.constant 12 : i32
    %dma_wait3A_304 = arith.constant 0 : i32
    %dma_wait3A_305 = tpu.memref_slice %arg3[%dma_wait3A_303, %dma_wait3A_304] : memref<16x1024xf32, #tpu.memory_space<hbm>> -> memref<1x1024xf32, #tpu.memory_space<hbm>>
    %dma_wait3A_306 = tpu.memref_squeeze %dma_wait3A_305 : memref<1x1024xf32, #tpu.memory_space<hbm>> -> memref<1024xf32, #tpu.memory_space<hbm>>
    %dma_wait3A_307 = arith.constant 0 : i32
    %dma_wait3A_308 = tpu.memref_slice %arg1[%sub3A_170, %dma_wait3A_307] : memref<65536x1024xf32, #tpu.memory_space<hbm>> -> memref<1x1024xf32, #tpu.memory_space<hbm>>
    %dma_wait3A_309 = tpu.memref_squeeze %dma_wait3A_308 : memref<1x1024xf32, #tpu.memory_space<hbm>> -> memref<1024xf32, #tpu.memory_space<hbm>>
    tpu.wait_dma2 semaphore(%arg5 : memref<!tpu.dma_semaphore, #tpu.memory_space<semaphore_mem>>) src(%dma_wait3A_309 : memref<1024xf32, #tpu.memory_space<hbm>>) dst(%dma_wait3A_306 : memref<1024xf32, #tpu.memory_space<hbm>>)
    %dma_wait3A_310 = arith.constant 13 : i32
    %dma_wait3A_311 = arith.constant 0 : i32
    %dma_wait3A_312 = tpu.memref_slice %arg3[%dma_wait3A_310, %dma_wait3A_311] : memref<16x1024xf32, #tpu.memory_space<hbm>> -> memref<1x1024xf32, #tpu.memory_space<hbm>>
    %dma_wait3A_313 = tpu.memref_squeeze %dma_wait3A_312 : memref<1x1024xf32, #tpu.memory_space<hbm>> -> memref<1024xf32, #tpu.memory_space<hbm>>
    %dma_wait3A_314 = arith.constant 0 : i32
    %dma_wait3A_315 = tpu.memref_slice %arg1[%sub3A_184, %dma_wait3A_314] : memref<65536x1024xf32, #tpu.memory_space<hbm>> -> memref<1x1024xf32, #tpu.memory_space<hbm>>
    %dma_wait3A_316 = tpu.memref_squeeze %dma_wait3A_315 : memref<1x1024xf32, #tpu.memory_space<hbm>> -> memref<1024xf32, #tpu.memory_space<hbm>>
    tpu.wait_dma2 semaphore(%arg5 : memref<!tpu.dma_semaphore, #tpu.memory_space<semaphore_mem>>) src(%dma_wait3A_316 : memref<1024xf32, #tpu.memory_space<hbm>>) dst(%dma_wait3A_313 : memref<1024xf32, #tpu.memory_space<hbm>>)
    %dma_wait3A_317 = arith.constant 14 : i32
    %dma_wait3A_318 = arith.constant 0 : i32
    %dma_wait3A_319 = tpu.memref_slice %arg3[%dma_wait3A_317, %dma_wait3A_318] : memref<16x1024xf32, #tpu.memory_space<hbm>> -> memref<1x1024xf32, #tpu.memory_space<hbm>>
    %dma_wait3A_320 = tpu.memref_squeeze %dma_wait3A_319 : memref<1x1024xf32, #tpu.memory_space<hbm>> -> memref<1024xf32, #tpu.memory_space<hbm>>
    %dma_wait3A_321 = arith.constant 0 : i32
    %dma_wait3A_322 = tpu.memref_slice %arg1[%sub3A_198, %dma_wait3A_321] : memref<65536x1024xf32, #tpu.memory_space<hbm>> -> memref<1x1024xf32, #tpu.memory_space<hbm>>
    %dma_wait3A_323 = tpu.memref_squeeze %dma_wait3A_322 : memref<1x1024xf32, #tpu.memory_space<hbm>> -> memref<1024xf32, #tpu.memory_space<hbm>>
    tpu.wait_dma2 semaphore(%arg5 : memref<!tpu.dma_semaphore, #tpu.memory_space<semaphore_mem>>) src(%dma_wait3A_323 : memref<1024xf32, #tpu.memory_space<hbm>>) dst(%dma_wait3A_320 : memref<1024xf32, #tpu.memory_space<hbm>>)
    %dma_wait3A_324 = arith.constant 15 : i32
    %dma_wait3A_325 = arith.constant 0 : i32
    %dma_wait3A_326 = tpu.memref_slice %arg3[%dma_wait3A_324, %dma_wait3A_325] : memref<16x1024xf32, #tpu.memory_space<hbm>> -> memref<1x1024xf32, #tpu.memory_space<hbm>>
    %dma_wait3A_327 = tpu.memref_squeeze %dma_wait3A_326 : memref<1x1024xf32, #tpu.memory_space<hbm>> -> memref<1024xf32, #tpu.memory_space<hbm>>
    %dma_wait3A_328 = arith.constant 0 : i32
    %dma_wait3A_329 = tpu.memref_slice %arg1[%sub3A_212, %dma_wait3A_328] : memref<65536x1024xf32, #tpu.memory_space<hbm>> -> memref<1x1024xf32, #tpu.memory_space<hbm>>
    %dma_wait3A_330 = tpu.memref_squeeze %dma_wait3A_329 : memref<1x1024xf32, #tpu.memory_space<hbm>> -> memref<1024xf32, #tpu.memory_space<hbm>>
    tpu.wait_dma2 semaphore(%arg5 : memref<!tpu.dma_semaphore, #tpu.memory_space<semaphore_mem>>) src(%dma_wait3A_330 : memref<1024xf32, #tpu.memory_space<hbm>>) dst(%dma_wait3A_327 : memref<1024xf32, #tpu.memory_space<hbm>>)
    return
  }
}

</mosaic_0001>

<sc_bundles>
// kernel: kernel.3.cloned.1.call-start
scs
__scs_entry_jumppad:
0x0: {  	(pc) =	sbr.rel $0x88, $3  }
0x1: {  	(tag) =	ssettag $0x0;
	lr =	simm.s32 $0x1  }
0x2: {  	[smem:$0x3F9F] =	sst lr;
	_ =	strace $0xD0000000  }
0x3: {  	_ = 	snop  }
0x4: {  	_ = 	snop  }
0x5: {  	_ = 	snop  }
0x6: {  	_ = 	snop  }
0x7: {  	_ = 	snop  }
__scs_overlays_trampoline_lowered:
0x8: {  	[smem:$0x3FAE] =	sst s0  }
0x9: {  	[smem:$0x3FAF] =	sst s1  }
0xa: {  	[smem:$0x3FB0] =	sst s2  }
0xb: {  	[smem:$0x3FB1] =	sst s3  }
0xc: {  	[smem:$0x3FB2] =	sst s4  }
0xd: {  	[smem:$0x3FB3] =	sst s5  }
0xe: {  	[smem:$0x3FB4] =	sst s6  }
0xf: {  	[smem:$0x3FB5] =	sst s7  }
0x10: {  	[smem:$0x3FB6] =	sst s8  }
0x11: {  	[smem:$0x3FB7] =	sst s9;
	s0 =	simm.s32 @!p0 $0x0  }
0x12: {  	s1 =	sld [smem:$0x3F9D];
	s0 =	simm.s32 @p0 $0x1  }
0x13: {  	[smem:$0x3FB8] =	sst s0;
	s0 =	simm.s32 @!p1 $0x0  }
0x14: {  	s2 =	sld [smem:$0x3F9C];
	s0 =	simm.s32 @p1 $0x1  }
0x15: {  	[smem:$0x3FB9] =	sst s0;
	s0 =	simm.s32 @!p2 $0x0  }
0x16: {  	s3 =	sld [smem:$0x3FDB];
	s0 =	simm.s32 @p2 $0x1  }
0x17: {  	s4 =	simm.s32 $0x1BF5;
	[smem:$0x3FBB] =	sst s0  }
0x18: {  	s0 =	sld [smem:$0x3F9E];
	_ =	swait.ge [sflag:s4], $0x0  }
0x19: {  	s7 =	sld [smem:$0x3F9F]  }
0x1a: {  	s8 =	sadd.s32 $0xFFFFE003, lr  }
0x1b: {  	s9 =	sadd.s32 $0xFFFFFEF7, lr;
	s5 =	simm.s32 $0xFFFFFFFF;
	p2 =	slt.u32 s8, $0xFFFFF086  }
0x1c: {  	p1 =	slt.u32 s9, $0xF7A;
	s5 =	simm.s32 @!p2 $0x0  }
0x1d: {  	s5 =	simm.s32 @p1 $0x1;
	p0 =	seq.s32 s7, s2  }
0x1e: {  	s7 =	smul.u32 @!p0 $0xF7A, s2;
	p2 =	seq.s32 @!p0 s5, $0x0  }
0x1f: {  	s9 =	smul.u32 $0xF7A, s1;
	s8 =	simm.s32 @!p0 $0x1BF5;
	p2 =	por !p2, p0  }
0x20: {  	[sflag:s8] =	ssyncset.s32 @!p0 $0xFFFFF086;
	s6 =	sadd.s32 @!p0 s3, s7;
	s7 =	simm.s32 @!p0 $0x108  }
0x21: {  	s3 =	sadd.s32 s3, s9;
	s6 =	sadd.s32 @!p0 $0x88, s6;
	s7 =	simm.s32 @p2 $0x1082  }
0x22: {  	[simem:s7], [sflag:s8] =	dma.local @!p0 [hbm:s6], $0xF7A  }
0x23: {  	s9 =	sor.u32 $0xD0000000, s2;
	s6 =	simm.s32 $0x108;
	_ =	swait.ge @!p0 [sflag:s8], $0x0  }
0x24: {  	s3 =	sadd.s32 $0x88, s3;
	s6 =	simm.s32 @!p1 $0x1082;
	[sflag:s4] =	ssyncset.s32 $0xFFFFF086  }
0x25: {  	[simem:s6], [sflag:s4] =	dma.local [hbm:s3], $0xF7A  }
0x26: {  	[smem:$0x3F9F] =	sst s1;
	(tag) =	ssettag s2;
	_ =	strace s9  }
0x27: {  	s1 =	sld [smem:$0x3FAF]  }
0x28: {  	s2 =	sld [smem:$0x3FB0]  }
0x29: {  	s4 =	sld [smem:$0x3FB2]  }
0x2a: {  	p0 =	seq.s32 s5, $0x0;
	s5 =	sld [smem:$0x3FB3]  }
0x2b: {  	s6 =	sld [smem:$0x3FB4]  }
0x2c: {  	s7 =	sld [smem:$0x3FB5]  }
0x2d: {  	s3 =	simm.s32 $0x108;
	s8 =	sld [smem:$0x3FB6]  }
0x2e: {  	s3 =	simm.s32 @!p0 $0x1082;
	s9 =	sld [smem:$0x3FB7]  }
0x2f: {  	lr =	sadd.s32 s0, s3;
	s0 =	sld [smem:$0x3FAE]  }
0x30: {  	s3 =	sld [smem:$0x3FB1]  }
0x31: {  	[smem:$0x3FBA] =	sst s10  }
0x32: {  	s10 =	sld [smem:$0x3FB8];
	_ =	sdelay $0x3  }
0x33: {  	p0 =	seq.s32 s10, $0x1;
	s10 =	sld [smem:$0x3FBA];
	_ =	sdelay $0x3  }
0x34: {  	[smem:$0x3FBA] =	sst s10  }
0x35: {  	s10 =	sld [smem:$0x3FB9];
	_ =	sdelay $0x3  }
0x36: {  	p1 =	seq.s32 s10, $0x1;
	s10 =	sld [smem:$0x3FBA];
	_ =	sdelay $0x3  }
0x37: {  	[smem:$0x3FBA] =	sst s10  }
0x38: {  	s10 =	sld [smem:$0x3FBB]  }
0x39: {  	_ = 	snop;
	(pc) =	sbr.ind lr, $3  }
0x3a: {  	_ = 	snop  }
0x3b: {  	_ = 	snop  }
0x3c: {  	p2 =	seq.s32 s10, $0x1;
	s10 =	sld [smem:$0x3FBA]  }
0x3d: {  	_ =	shalt  }
0x3e: {  	_ =	shalt  }
0x3f: {  	_ =	shalt  }
0x40: {  	_ =	shalt  }
0x41: {  	_ =	shalt  }
0x42: {  	_ =	shalt  }
0x43: {  	_ =	shalt  }
0x44: {  	_ =	shalt  }
0x45: {  	_ =	shalt  }
0x46: {  	_ =	shalt  }
0x47: {  	_ =	shalt  }
0x48: {  	_ =	shalt  }
0x49: {  	_ =	shalt  }
0x4a: {  	_ =	shalt  }
0x4b: {  	_ =	shalt  }
0x4c: {  	_ =	shalt  }
0x4d: {  	_ =	shalt  }
0x4e: {  	_ =	shalt  }
0x4f: {  	_ =	shalt  }
0x50: {  	_ =	shalt  }
0x51: {  	_ =	shalt  }
0x52: {  	_ =	shalt  }
0x53: {  	_ =	shalt  }
0x54: {  	_ =	shalt  }
0x55: {  	_ =	shalt  }
0x56: {  	_ =	shalt  }
0x57: {  	_ =	shalt  }
0x58: {  	_ =	shalt  }
0x59: {  	_ =	shalt  }
0x5a: {  	_ =	shalt  }
0x5b: {  	_ =	shalt  }
0x5c: {  	_ =	shalt  }
0x5d: {  	_ =	shalt  }
0x5e: {  	_ =	shalt  }
0x5f: {  	_ =	shalt  }
0x60: {  	_ =	shalt  }
0x61: {  	_ =	shalt  }
0x62: {  	_ =	shalt  }
0x63: {  	_ =	shalt  }
0x64: {  	_ =	shalt  }
0x65: {  	_ =	shalt  }
0x66: {  	_ =	shalt  }
0x67: {  	_ =	shalt  }
0x68: {  	_ =	shalt  }
0x69: {  	_ =	shalt  }
0x6a: {  	_ =	shalt  }
0x6b: {  	_ =	shalt  }
0x6c: {  	_ =	shalt  }
0x6d: {  	_ =	shalt  }
0x6e: {  	_ =	shalt  }
0x6f: {  	_ =	shalt  }
0x70: {  	_ =	shalt  }
0x71: {  	_ =	shalt  }
0x72: {  	_ =	shalt  }
0x73: {  	_ =	shalt  }
0x74: {  	_ =	shalt  }
0x75: {  	_ =	shalt  }
0x76: {  	_ =	shalt  }
0x77: {  	_ =	shalt  }
0x78: {  	_ =	shalt  }
0x79: {  	_ =	shalt  }
0x7a: {  	_ =	shalt  }
0x7b: {  	_ =	shalt  }
0x7c: {  	_ =	shalt  }
0x7d: {  	_ =	shalt  }
0x7e: {  	_ =	shalt  }
0x7f: {  	_ =	shalt  }
0x80: {  	_ =	shalt  }
0x81: {  	_ =	shalt  }
0x82: {  	_ =	shalt  }
0x83: {  	_ =	shalt  }
0x84: {  	_ =	shalt  }
0x85: {  	_ =	shalt  }
0x86: {  	_ =	shalt  }
0x87: {  	_ =	shalt  }
.Lfunc_end0:
.L_simem_size_0:
called_computation_lowered:
.L_overlay_start_0:
0x88: {  	s0 =	sld [smem:$0x3FD9]  }
0x89: {  	s1 =	sld [smem:$0x3FFE];
	_ =	sdelay $0x3  }
0x8a: {  	s0 =	sadd.s32 s1, s0  }
0x8b: {  	s3 =	simm.s32 $0x0;
	[smem:$0x3FC6] =	sst s0  }
0x8c: {  	[smem:$0xF] =	sst s3  }
0x8d: {  	s1 =	sld [smem:$0x3FC9]  }
0x8e: {  	s0 =	sld [smem:$0x3FC8]  }
0x8f: {  	s2 =	sld [smem:$0x3FD0];
	(tm) =	ssettm $0x1  }
0x90: {  	s17 =	sld [smem:$0x3FFB];
	_ =	sdelay $0x3  }
0x91: {  	_ =	strace s17  }
0x92: {  	s3 =	sld [smem:$0x3FFC];
	_ =	sdelay $0x3  }
0x93: {  	_ =	strace s3  }
0x94: {  	s3 =	sld [smem:$0x3FFD];
	_ =	sdelay $0x3  }
0x95: {  	_ =	strace s3  }
0x96: {  	s18 =	simm.s32 $0x1B8B;
	_ =	strace $0x8FFFFFFF  }
0x97: {  	_ =	swait.ge [sflag:s18], $0x1  }
0x98: {  	[sflag:s18] =	ssyncset.done $0x0  }
0x99: {  	s19 =	simm.s32 $0x1B8E;
	[sflag:s18] =	ssyncadd.s32 $0xFFFFFFFF  }
0x9a: {  	[smem:$0x3FD2] =	sst s19  }
0x9b: {  	s20 =	simm.s32 $0xA;
	s4 =	simm.s32 $0x10;
	_ =	strace $0x80000046  }
0x9c: {  	[smem:s4], [sflag:s20] =	dma.local [hbm:s0], $0x10  }
0x9d: {  	_ =	swait.ge [sflag:s20], $0x10  }
0x9e: {  	[sflag:s20] =	ssyncset.done $0x0  }
0x9f: {  	[sflag:s20] =	ssyncadd.s32 $0xFFFFFFF0  }
0xa0: {  	s21 =	sld [smem:$0x10];
	_ =	sdelay $0x3  }
0xa1: {  	s0 =	sadd.s32 $0xFFFFFFFF, s21  }
0xa2: {  	s22 =	sshll.u32 s0, $0xA;
	s0 =	sshll.u32 s0, $0x7  }
0xa3: {  	s3 =	sand.u32 $0xFFFFE000, s22;
	s0 =	sand.u32 $0x380, s0  }
0xa4: {  	s0 =	sor.u32 s0, s3  }
0xa5: {  	s4 =	simm.s32 $0x80;
	s0 =	sshrl.u32 s0, $0x3  }
0xa6: {  	s3 =	simm.s32 $0x1;
	s5 =	sadd.s32 s1, s0;
	s0 =	simm.s32 $0x9  }
0xa7: {  	[hbm:s2@s4], [sflag:s0] =	dma.strided [hbm:s5@s4], $0x80, s3, $0x10   }
0xa8: {  	s5 =	sld [smem:$0x11];
	_ =	sdelay $0x3  }
0xa9: {  	s5 =	sadd.s32 $0xFFF, s5  }
0xaa: {  	s6 =	sshll.u32 s5, $0xA;
	s5 =	sshll.u32 s5, $0x7  }
0xab: {  	s6 =	sand.u32 $0xFFFFE000, s6;
	s5 =	sand.u32 $0x380, s5  }
0xac: {  	s5 =	sor.u32 s5, s6  }
0xad: {  	s5 =	sshrl.u32 s5, $0x3  }
0xae: {  	s23 =	sadd.s32 $0x10, s2;
	s5 =	sadd.s32 s1, s5  }
0xaf: {  	[hbm:s23@s4], [sflag:s0] =	dma.strided [hbm:s5@s4], $0x80, s3, $0x10   }
0xb0: {  	s5 =	sld [smem:$0x12];
	_ =	sdelay $0x3  }
0xb1: {  	s5 =	sadd.s32 $0x1FFF, s5  }
0xb2: {  	s24 =	sshll.u32 s5, $0xA;
	s5 =	sshll.u32 s5, $0x7  }
0xb3: {  	s6 =	sand.u32 $0xFFFFE000, s24;
	s5 =	sand.u32 $0x380, s5  }
0xb4: {  	s5 =	sor.u32 s5, s6  }
0xb5: {  	s5 =	sshrl.u32 s5, $0x3  }
0xb6: {  	s25 =	sadd.s32 $0x20, s2;
	s5 =	sadd.s32 s1, s5  }
0xb7: {  	[hbm:s25@s4], [sflag:s0] =	dma.strided [hbm:s5@s4], $0x80, s3, $0x10   }
0xb8: {  	s5 =	sld [smem:$0x13];
	_ =	sdelay $0x3  }
0xb9: {  	s5 =	sadd.s32 $0x2FFF, s5  }
0xba: {  	s26 =	sshll.u32 s5, $0xA;
	s5 =	sshll.u32 s5, $0x7  }
0xbb: {  	s6 =	sand.u32 $0xFFFFE000, s26;
	s5 =	sand.u32 $0x380, s5  }
0xbc: {  	s5 =	sor.u32 s5, s6  }
0xbd: {  	s5 =	sshrl.u32 s5, $0x3  }
0xbe: {  	s28 =	sadd.s32 $0x30, s2;
	s5 =	sadd.s32 s1, s5  }
0xbf: {  	[hbm:s28@s4], [sflag:s0] =	dma.strided [hbm:s5@s4], $0x80, s3, $0x10   }
0xc0: {  	s5 =	sld [smem:$0x14];
	_ =	sdelay $0x3  }
0xc1: {  	s5 =	sadd.s32 $0x3FFF, s5  }
0xc2: {  	s29 =	sshll.u32 s5, $0xA;
	s5 =	sshll.u32 s5, $0x7  }
0xc3: {  	s6 =	sand.u32 $0xFFFFE000, s29;
	s5 =	sand.u32 $0x380, s5  }
0xc4: {  	s5 =	sor.u32 s5, s6  }
0xc5: {  	s5 =	sshrl.u32 s5, $0x3  }
0xc6: {  	s30 =	sadd.s32 $0x40, s2;
	s5 =	sadd.s32 s1, s5  }
0xc7: {  	[hbm:s30@s4], [sflag:s0] =	dma.strided [hbm:s5@s4], $0x80, s3, $0x10   }
0xc8: {  	s5 =	sld [smem:$0x15];
	_ =	sdelay $0x3  }
0xc9: {  	s5 =	sadd.s32 $0x4FFF, s5  }
0xca: {  	s31 =	sshll.u32 s5, $0xA;
	s5 =	sshll.u32 s5, $0x7  }
0xcb: {  	s6 =	sand.u32 $0xFFFFE000, s31;
	s5 =	sand.u32 $0x380, s5  }
0xcc: {  	s5 =	sor.u32 s5, s6  }
0xcd: {  	s5 =	sshrl.u32 s5, $0x3  }
0xce: {  	s7 =	sadd.s32 $0x50, s2;
	s5 =	sadd.s32 s1, s5  }
0xcf: {  	[hbm:s7@s4], [sflag:s0] =	dma.strided [hbm:s5@s4], $0x80, s3, $0x10   }
0xd0: {  	s5 =	sld [smem:$0x16];
	_ =	sdelay $0x3  }
0xd1: {  	s5 =	sadd.s32 $0x5FFF, s5  }
0xd2: {  	s8 =	sshll.u32 s5, $0xA;
	s5 =	sshll.u32 s5, $0x7  }
0xd3: {  	s6 =	sand.u32 $0xFFFFE000, s8;
	s5 =	sand.u32 $0x380, s5  }
0xd4: {  	s5 =	sor.u32 s5, s6  }
0xd5: {  	s5 =	sshrl.u32 s5, $0x3  }
0xd6: {  	s9 =	sadd.s32 $0x60, s2;
	s5 =	sadd.s32 s1, s5  }
0xd7: {  	[hbm:s9@s4], [sflag:s0] =	dma.strided [hbm:s5@s4], $0x80, s3, $0x10   }
0xd8: {  	s5 =	sld [smem:$0x17];
	_ =	sdelay $0x3  }
0xd9: {  	s5 =	sadd.s32 $0x6FFF, s5  }
0xda: {  	s10 =	sshll.u32 s5, $0xA;
	s5 =	sshll.u32 s5, $0x7  }
0xdb: {  	s6 =	sand.u32 $0xFFFFE000, s10;
	s5 =	sand.u32 $0x380, s5  }
0xdc: {  	s5 =	sor.u32 s5, s6  }
0xdd: {  	s5 =	sshrl.u32 s5, $0x3  }
0xde: {  	s11 =	sadd.s32 $0x70, s2;
	s5 =	sadd.s32 s1, s5  }
0xdf: {  	[hbm:s11@s4], [sflag:s0] =	dma.strided [hbm:s5@s4], $0x80, s3, $0x10   }
0xe0: {  	s5 =	sld [smem:$0x18];
	_ =	sdelay $0x3  }
0xe1: {  	s5 =	sadd.s32 $0x7FFF, s5  }
0xe2: {  	s12 =	sshll.u32 s5, $0xA;
	s5 =	sshll.u32 s5, $0x7  }
0xe3: {  	s6 =	sand.u32 $0xFFFFE000, s12;
	s5 =	sand.u32 $0x380, s5  }
0xe4: {  	s5 =	sor.u32 s5, s6  }
0xe5: {  	s5 =	sshrl.u32 s5, $0x3  }
0xe6: {  	s13 =	sadd.s32 $0x400, s2;
	s5 =	sadd.s32 s1, s5  }
0xe7: {  	[hbm:s13@s4], [sflag:s0] =	dma.strided [hbm:s5@s4], $0x80, s3, $0x10   }
0xe8: {  	s5 =	sld [smem:$0x19];
	_ =	sdelay $0x3  }
0xe9: {  	s5 =	sadd.s32 $0x8FFF, s5  }
0xea: {  	s14 =	sshll.u32 s5, $0xA;
	s5 =	sshll.u32 s5, $0x7  }
0xeb: {  	s6 =	sand.u32 $0xFFFFE000, s14;
	s5 =	sand.u32 $0x380, s5  }
0xec: {  	s5 =	sor.u32 s5, s6  }
0xed: {  	s5 =	sshrl.u32 s5, $0x3  }
0xee: {  	s15 =	sadd.s32 $0x410, s2;
	s5 =	sadd.s32 s1, s5  }
0xef: {  	[hbm:s15@s4], [sflag:s0] =	dma.strided [hbm:s5@s4], $0x80, s3, $0x10   }
0xf0: {  	s5 =	sld [smem:$0x1A];
	_ =	sdelay $0x3  }
0xf1: {  	s5 =	sadd.s32 $0x9FFF, s5  }
0xf2: {  	s16 =	sshll.u32 s5, $0xA;
	s5 =	sshll.u32 s5, $0x7  }
0xf3: {  	s6 =	sand.u32 $0xFFFFE000, s16;
	s5 =	sand.u32 $0x380, s5  }
0xf4: {  	s5 =	sor.u32 s5, s6  }
0xf5: {  	s5 =	sshrl.u32 s5, $0x3  }
0xf6: {  	s17 =	sadd.s32 $0x420, s2;
	s5 =	sadd.s32 s1, s5  }
0xf7: {  	[hbm:s17@s4], [sflag:s0] =	dma.strided [hbm:s5@s4], $0x80, s3, $0x10   }
0xf8: {  	s5 =	sld [smem:$0x1B];
	_ =	sdelay $0x3  }
0xf9: {  	s5 =	sadd.s32 $0xAFFF, s5  }
0xfa: {  	s18 =	sshll.u32 s5, $0xA;
	s5 =	sshll.u32 s5, $0x7  }
0xfb: {  	s6 =	sand.u32 $0xFFFFE000, s18;
	s5 =	sand.u32 $0x380, s5  }
0xfc: {  	s5 =	sor.u32 s5, s6  }
0xfd: {  	s5 =	sshrl.u32 s5, $0x3  }
0xfe: {  	s19 =	sadd.s32 $0x430, s2;
	s5 =	sadd.s32 s1, s5  }
0xff: {  	[hbm:s19@s4], [sflag:s0] =	dma.strided [hbm:s5@s4], $0x80, s3, $0x10   }
0x100: {  	s5 =	sld [smem:$0x1C];
	_ =	sdelay $0x3  }
0x101: {  	s5 =	sadd.s32 $0xBFFF, s5  }
0x102: {  	s20 =	sshll.u32 s5, $0xA;
	s5 =	sshll.u32 s5, $0x7  }
0x103: {  	s6 =	sand.u32 $0xFFFFE000, s20;
	s5 =	sand.u32 $0x380, s5  }
0x104: {  	s5 =	sor.u32 s5, s6  }
0x105: {  	s5 =	sshrl.u32 s5, $0x3  }
0x106: {  	s21 =	sadd.s32 $0x440, s2;
	s5 =	sadd.s32 s1, s5  }
0x107: {  	[hbm:s21@s4], [sflag:s0] =	dma.strided [hbm:s5@s4], $0x80, s3, $0x10   }
0x108: {  	s5 =	sld [smem:$0x1D];
	_ =	sdelay $0x3  }
0x109: {  	s5 =	sadd.s32 $0xCFFF, s5  }
0x10a: {  	s22 =	sshll.u32 s5, $0xA;
	s5 =	sshll.u32 s5, $0x7  }
0x10b: {  	s6 =	sand.u32 $0xFFFFE000, s22;
	s5 =	sand.u32 $0x380, s5  }
0x10c: {  	s5 =	sor.u32 s5, s6  }
0x10d: {  	s5 =	sshrl.u32 s5, $0x3  }
0x10e: {  	s23 =	sadd.s32 $0x450, s2;
	s5 =	sadd.s32 s1, s5  }
0x10f: {  	[hbm:s23@s4], [sflag:s0] =	dma.strided [hbm:s5@s4], $0x80, s3, $0x10   }
0x110: {  	s5 =	sld [smem:$0x1E];
	_ =	sdelay $0x3  }
0x111: {  	s5 =	sadd.s32 $0xDFFF, s5  }
0x112: {  	s24 =	sshll.u32 s5, $0xA;
	s5 =	sshll.u32 s5, $0x7  }
0x113: {  	s6 =	sand.u32 $0xFFFFE000, s24;
	s5 =	sand.u32 $0x380, s5  }
0x114: {  	s5 =	sor.u32 s5, s6  }
0x115: {  	s5 =	sshrl.u32 s5, $0x3  }
0x116: {  	s25 =	sadd.s32 $0x460, s2;
	s5 =	sadd.s32 s1, s5  }
0x117: {  	[hbm:s25@s4], [sflag:s0] =	dma.strided [hbm:s5@s4], $0x80, s3, $0x10   }
0x118: {  	s5 =	sld [smem:$0x1F];
	_ =	sdelay $0x3  }
0x119: {  	s5 =	sadd.s32 $0xEFFF, s5  }
0x11a: {  	s26 =	sshll.u32 s5, $0xA;
	s5 =	sshll.u32 s5, $0x7  }
0x11b: {  	s6 =	sand.u32 $0xFFFFE000, s26;
	s5 =	sand.u32 $0x380, s5  }
0x11c: {  	s5 =	sor.u32 s5, s6  }
0x11d: {  	s5 =	sshrl.u32 s5, $0x3  }
0x11e: {  	s2 =	sadd.s32 $0x470, s2;
	s1 =	sadd.s32 s1, s5  }
0x11f: {  	[hbm:s2@s4], [sflag:s0] =	dma.strided [hbm:s1@s4], $0x80, s3, $0x10   }
0x120: {  	_ =	swait.ge [sflag:s0], $0x80  }
0x121: {  	[sflag:s0] =	ssyncset.done $0x0  }
0x122: {  	[sflag:s0] =	ssyncadd.s32 $0xFFFFFF80;
	_ =	sdelay $0x2  }
0x123: {  	_ =	swait.ge [sflag:s0], $0x80  }
0x124: {  	[sflag:s0] =	ssyncset.done $0x0  }
0x125: {  	[sflag:s0] =	ssyncadd.s32 $0xFFFFFF80;
	_ =	sdelay $0x2  }
0x126: {  	_ =	swait.ge [sflag:s0], $0x80  }
0x127: {  	[sflag:s0] =	ssyncset.done $0x0  }
0x128: {  	[sflag:s0] =	ssyncadd.s32 $0xFFFFFF80;
	_ =	sdelay $0x2  }
0x129: {  	_ =	swait.ge [sflag:s0], $0x80  }
0x12a: {  	[sflag:s0] =	ssyncset.done $0x0  }
0x12b: {  	[sflag:s0] =	ssyncadd.s32 $0xFFFFFF80;
	_ =	sdelay $0x2  }
0x12c: {  	_ =	swait.ge [sflag:s0], $0x80  }
0x12d: {  	[sflag:s0] =	ssyncset.done $0x0  }
0x12e: {  	[sflag:s0] =	ssyncadd.s32 $0xFFFFFF80;
	_ =	sdelay $0x2  }
0x12f: {  	_ =	swait.ge [sflag:s0], $0x80  }
0x130: {  	[sflag:s0] =	ssyncset.done $0x0  }
0x131: {  	[sflag:s0] =	ssyncadd.s32 $0xFFFFFF80;
	_ =	sdelay $0x2  }
0x132: {  	_ =	swait.ge [sflag:s0], $0x80  }
0x133: {  	[sflag:s0] =	ssyncset.done $0x0  }
0x134: {  	[sflag:s0] =	ssyncadd.s32 $0xFFFFFF80;
	_ =	sdelay $0x2  }
0x135: {  	_ =	swait.ge [sflag:s0], $0x80  }
0x136: {  	[sflag:s0] =	ssyncset.done $0x0  }
0x137: {  	[sflag:s0] =	ssyncadd.s32 $0xFFFFFF80;
	_ =	sdelay $0x2  }
0x138: {  	_ =	swait.ge [sflag:s0], $0x80  }
0x139: {  	[sflag:s0] =	ssyncset.done $0x0  }
0x13a: {  	[sflag:s0] =	ssyncadd.s32 $0xFFFFFF80;
	_ =	sdelay $0x2  }
0x13b: {  	_ =	swait.ge [sflag:s0], $0x80  }
0x13c: {  	[sflag:s0] =	ssyncset.done $0x0  }
0x13d: {  	[sflag:s0] =	ssyncadd.s32 $0xFFFFFF80;
	_ =	sdelay $0x2  }
0x13e: {  	_ =	swait.ge [sflag:s0], $0x80  }
0x13f: {  	[sflag:s0] =	ssyncset.done $0x0  }
0x140: {  	[sflag:s0] =	ssyncadd.s32 $0xFFFFFF80;
	_ =	sdelay $0x2  }
0x141: {  	_ =	swait.ge [sflag:s0], $0x80  }
0x142: {  	[sflag:s0] =	ssyncset.done $0x0  }
0x143: {  	[sflag:s0] =	ssyncadd.s32 $0xFFFFFF80;
	_ =	sdelay $0x2  }
0x144: {  	_ =	swait.ge [sflag:s0], $0x80  }
0x145: {  	[sflag:s0] =	ssyncset.done $0x0  }
0x146: {  	[sflag:s0] =	ssyncadd.s32 $0xFFFFFF80;
	_ =	sdelay $0x2  }
0x147: {  	_ =	swait.ge [sflag:s0], $0x80  }
0x148: {  	[sflag:s0] =	ssyncset.done $0x0  }
0x149: {  	[sflag:s0] =	ssyncadd.s32 $0xFFFFFF80;
	_ =	sdelay $0x2  }
0x14a: {  	_ =	swait.ge [sflag:s0], $0x80  }
0x14b: {  	[sflag:s0] =	ssyncset.done $0x0  }
0x14c: {  	[sflag:s0] =	ssyncadd.s32 $0xFFFFFF80;
	_ =	sdelay $0x2  }
0x14d: {  	_ =	swait.ge [sflag:s0], $0x80  }
0x14e: {  	[sflag:s0] =	ssyncset.done $0x0  }
0x14f: {  	[sflag:s0] =	ssyncadd.s32 $0xFFFFFF80  }
0x150: {  	_ =	strace $0x90000046  }
0x151: {  	_ =	sfence  }
0x152: {  	s28 =	sld [smem:$0x0];
	_ =	sdelay $0x1  }
0x153: {  	s29 =	srdreg.scid  }
0x154: {  	s30 =	sshll.u32 s29, $0xD;
	s31 =	sshrl.u32 s29, $0x2  }
0x155: {  	s1 =	sand.u32 $0x1, s29;
	s2 =	sand.u32 $0x4000, s30;
	s0 =	sadd.s32 s31, s28  }
0x156: {  	s1 =	sor.u32 s2, s1;
	s0 =	sshll.u32 s0, $0x11  }
0x157: {  	s0 =	sor.u32 s0, s1  }
0x158: {  	s0 =	sadd.s32 $0x8F2B, s0;
	(pc) =	sbr.abs _section_cstart, $3  }
0x159: {  	[sflag:s0] =	ssyncadd.remote.s32 $0x1  }
0x15a: {  	_ =	strace $0x9FFFFFFF  }
0x15b: {  	(tm) =	ssettm $0x7FFFFFFF  }

</sc_bundles>
